<compile_context>
chip_gen: v7x
topology: tpu7x:2x2x1
jax: 0.10.2.dev20260603
libtpu: 0.0.44.dev20260713+nightly
codegen_flags: <defaults>
</compile_context>

<pallas_src>
import jax
import jax.numpy as jnp
from jax import lax
from jax.experimental import pallas as pl
from jax.experimental.pallas import tpu as pltpu
from jax.experimental.pallas import tpu_sc as plsc

NUM_HEADS = 16
HW = 1024
TBL = 3969
TBL_PAD = 3976

NC = 2
NS = 16

ROWS_PER_TILE = HW // NC
RC = 16
NCHUNK = ROWS_PER_TILE // RC


def _sc_bias(table_hbm, out_hbm, tbl_v, out_v, sems):
    c = lax.axis_index("c")
    s = lax.axis_index("s")
    h = s
    row0 = c * ROWS_PER_TILE

    pltpu.sync_copy(table_hbm.at[h], tbl_v)
    iota = lax.iota(jnp.int32, 16)

    def dma(ci, buf, sem):
        row = row0 + ci * RC
        return pltpu.make_async_copy(buf, out_hbm.at[h, pl.ds(row, RC)], sem)

    @pl.loop(0, NCHUNK)
    def _chunks(ci):
        b = ci & 1
        buf = out_v.at[b]
        sem = sems.at[b]

        @pl.when(ci >= 2)
        def _():
            dma(ci - 2, buf, sem).wait()

        @pl.loop(0, RC)
        def _row(r):
            a = row0 + ci * RC + r
            ivrow = ((a >> 5) * 63 + (a & 31) + 1984) - iota

            @plsc.parallel_loop(0, 64, unroll=8)
            def _grp(g):
                iv = ivrow - ((g >> 1) * 63 + (g & 1) * 16)
                buf[r, pl.ds(g * 16, 16)] = plsc.load_gather(tbl_v, [iv])

        dma(ci, buf, sem).start()

    dma(NCHUNK - 2, out_v.at[0], sems.at[0]).wait()
    dma(NCHUNK - 1, out_v.at[1], sems.at[1]).wait()


@jax.jit
def kernel(relative_bias_table, relative_index):
    del relative_index
    tbl = jnp.pad(relative_bias_table.astype(jnp.float32),
                  ((0, 0), (0, TBL_PAD - TBL)))
    mesh = plsc.VectorSubcoreMesh(core_axis_name="c", subcore_axis_name="s")
    return pl.kernel(
        _sc_bias,
        out_type=jax.ShapeDtypeStruct((NUM_HEADS, HW, HW), jnp.float32),
        mesh=mesh,
        scratch_types=[
            pltpu.VMEM((TBL_PAD,), jnp.float32),
            pltpu.VMEM((2, RC, HW), jnp.float32),
            pltpu.SemaphoreType.DMA((2,)),
        ],
        compiler_params=pltpu.CompilerParams(needs_layout_passes=False,
                                             skip_device_barrier=True),
    )(tbl)

# --- scband reference (transcript-rebuilt; emitter-appended) ---
"""Pipeline reference for scband-relative-position2-d-15479062135436 (READ-ONLY COPY).

The authoritative reference and input builder live on the scoring server;
editing this copy changes nothing except your own understanding.
"""

import jax, jax.numpy as jnp
import numpy as np

NUM_HEADS = 16
H = 32
W = 32


def _build_relative_index(h, w):
    coords_h = np.arange(h)
    coords_w = np.arange(w)
    coords = np.stack(np.meshgrid(coords_h, coords_w, indexing='ij'))
    coords_flat = coords.reshape(2, -1)
    relative_coords = coords_flat[:, :, None] - coords_flat[:, None, :]
    relative_coords[0] += h - 1
    relative_coords[1] += w - 1
    relative_coords[0] *= 2 * w - 1
    relative_index = relative_coords[0] + relative_coords[1]
    return relative_index.astype(np.int64)


def setup_inputs(seed: int = 0) -> dict:
    key = jax.random.key(seed)
    table_size = (2 * H - 1) * (2 * W - 1)
    # trunc_normal_(std=0.02): truncated standard normal at +/-2 scaled by std
    relative_bias_table = jax.random.truncated_normal(
        key, -2.0, 2.0, (NUM_HEADS, table_size), dtype=jnp.float32
    ) * 0.02
    relative_index = jnp.asarray(_build_relative_index(H, W))
    return {
        "relative_bias_table": relative_bias_table,
        "relative_index": relative_index,
    }


def reference(relative_bias_table, relative_index):
    # forward(): bias = table[:, relative_index.view(-1)].view(num_heads, hw, hw)
    hw = relative_index.shape[0]
    flat_idx = relative_index.reshape(-1)
    bias = jnp.take(relative_bias_table, flat_idx, axis=1)
    bias = bias.reshape(NUM_HEADS, hw, hw)
    return bias

if __name__ == "__main__":
    import jax
    _d = setup_inputs()
    print(jax.jit(kernel)(*tuple(_d.values())))

</pallas_src>

<mosaic_0001>
#map = affine_map<(d0, d1) -> (0, 0)>
#map1 = affine_map<(d0, d1) -> (0, 0, 0)>
module attributes {stable_mosaic.version = 14 : i64} {
  func.func @_sc_bias(%arg0: i32, %arg1: i32, %arg2: memref<16x3976xf32, #tpu.memory_space<hbm>>, %arg3: memref<16x1024x1024xf32, #tpu.memory_space<hbm>>, %arg4: memref<3976xf32, #tpu.memory_space<vmem>>, %arg5: memref<2x16x1024xf32, #tpu.memory_space<vmem>>, %arg6: memref<2x!tpu.dma_semaphore, #tpu.memory_space<semaphore_mem>>) attributes {dimension_semantics = [#tpu.dimension_semantics<core_parallel>, #tpu.dimension_semantics<subcore_parallel>], iteration_bounds = array<i64: 2, 16>, scalar_prefetch = 0 : i64, scratch_operands = 3 : i64, tpu.core_type = #tpu.core_type<sc_vector_subcore>, window_params = [{transform_indices = #map}, {transform_indices = #map1}]} {
    %mul3A = arith.constant 512 : i32
    %mul3A_0 = arith.muli %arg0, %mul3A : i32
    "tpu.region"() ({
      %run_scoped3A = tpu.sem_alloc : memref<!tpu.dma_semaphore, #tpu.memory_space<semaphore_mem>>
      %dma_start3A = arith.constant 0 : i32
      %dma_start3A_43 = tpu.memref_slice %arg2[%arg1, %dma_start3A] : memref<16x3976xf32, #tpu.memory_space<hbm>> -> memref<1x3976xf32, #tpu.memory_space<hbm>>
      %dma_start3A_44 = tpu.memref_squeeze %dma_start3A_43 : memref<1x3976xf32, #tpu.memory_space<hbm>> -> memref<3976xf32, #tpu.memory_space<hbm>>
      %dma_start3A_45 = arith.constant 0 : i32
      %dma_start3A_46 = tpu.memref_slice %arg2[%arg1, %dma_start3A_45] : memref<16x3976xf32, #tpu.memory_space<hbm>> -> memref<1x3976xf32, #tpu.memory_space<hbm>>
      %dma_start3A_47 = tpu.memref_squeeze %dma_start3A_46 : memref<1x3976xf32, #tpu.memory_space<hbm>> -> memref<3976xf32, #tpu.memory_space<hbm>>
      tpu.enqueue_dma source(%dma_start3A_47 : memref<3976xf32, #tpu.memory_space<hbm>>) target(%arg4 : memref<3976xf32, #tpu.memory_space<vmem>>) target_semaphore(%run_scoped3A : memref<!tpu.dma_semaphore, #tpu.memory_space<semaphore_mem>>)
      %dma_wait3A_48 = arith.constant 0 : i32
      %dma_wait3A_49 = tpu.memref_slice %arg2[%arg1, %dma_wait3A_48] : memref<16x3976xf32, #tpu.memory_space<hbm>> -> memref<1x3976xf32, #tpu.memory_space<hbm>>
      %dma_wait3A_50 = tpu.memref_squeeze %dma_wait3A_49 : memref<1x3976xf32, #tpu.memory_space<hbm>> -> memref<3976xf32, #tpu.memory_space<hbm>>
      %dma_wait3A_51 = arith.constant 0 : i32
      %dma_wait3A_52 = tpu.memref_slice %arg2[%arg1, %dma_wait3A_51] : memref<16x3976xf32, #tpu.memory_space<hbm>> -> memref<1x3976xf32, #tpu.memory_space<hbm>>
      %dma_wait3A_53 = tpu.memref_squeeze %dma_wait3A_52 : memref<1x3976xf32, #tpu.memory_space<hbm>> -> memref<3976xf32, #tpu.memory_space<hbm>>
      tpu.wait_dma2 semaphore(%run_scoped3A : memref<!tpu.dma_semaphore, #tpu.memory_space<semaphore_mem>>) src(%dma_wait3A_53 : memref<3976xf32, #tpu.memory_space<hbm>>) dst(%arg4 : memref<3976xf32, #tpu.memory_space<vmem>>)
      tpu.yield
    }) : () -> ()
    %iota3A = tpu.iota {dimensions = array<i32: 0>} : vector<16xi32>
    %scan3A = arith.constant 0 : i32
    %scan3A_1 = arith.constant 32 : i32
    %scan3A_2 = arith.addi %scan3A, %scan3A_1 : i32
    %scan3A_3 = arith.constant 1 : i32
    scf.for %scan3A_43 = %scan3A to %scan3A_2 step %scan3A_3  : i32 {
      %mul3A_44 = arith.constant 1 : i32
      %mul3A_45 = arith.muli %scan3A_43, %mul3A_44 : i32
      %add3A_46 = arith.constant 0 : i32
      %add3A_47 = arith.addi %add3A_46, %mul3A_45 : i32
      %and3A = arith.constant 1 : i32
      %and3A_48 = arith.andi %add3A_47, %and3A : i32
      %ge3A = arith.constant 2 : i32
      %ge3A_49 = arith.cmpi sge, %add3A_47, %ge3A : i32
      %convert_element_type3A = arith.extui %ge3A_49 : i1 to i32
      %cond3A = arith.constant 0 : i32
      %cond3A_50 = arith.cmpi ne, %convert_element_type3A, %cond3A : i32
      scf.if %cond3A_50 {
        %sub3A = arith.constant 2 : i32
        %sub3A_74 = arith.subi %add3A_47, %sub3A : i32
        %mul3A_75 = arith.constant 16 : i32
        %mul3A_76 = arith.muli %sub3A_74, %mul3A_75 : i32
        %add3A_77 = arith.addi %mul3A_0, %mul3A_76 : i32
        %dma_wait3A_78 = arith.constant 0 : i32
        %dma_wait3A_79 = arith.constant 0 : i32
        %dma_wait3A_80 = tpu.memref_slice %arg5[%and3A_48, %dma_wait3A_78, %dma_wait3A_79] : memref<2x16x1024xf32, #tpu.memory_space<vmem>> -> memref<1x16x1024xf32, #tpu.memory_space<vmem>>
        %dma_wait3A_81 = tpu.memref_squeeze %dma_wait3A_80 : memref<1x16x1024xf32, #tpu.memory_space<vmem>> -> memref<16x1024xf32, #tpu.memory_space<vmem>>
        %dma_wait3A_82 = arith.constant 0 : i32
        %dma_wait3A_83 = tpu.memref_slice %arg3[%arg1, %add3A_77, %dma_wait3A_82] : memref<16x1024x1024xf32, #tpu.memory_space<hbm>> -> memref<1x16x1024xf32, #tpu.memory_space<hbm>>
        %dma_wait3A_84 = tpu.memref_squeeze %dma_wait3A_83 : memref<1x16x1024xf32, #tpu.memory_space<hbm>> -> memref<16x1024xf32, #tpu.memory_space<hbm>>
        %dma_wait3A_85 = tpu.memref_slice %arg6[%and3A_48] : memref<2x!tpu.dma_semaphore, #tpu.memory_space<semaphore_mem>> -> memref<1x!tpu.dma_semaphore, #tpu.memory_space<semaphore_mem>>
        %dma_wait3A_86 = tpu.memref_squeeze %dma_wait3A_85 : memref<1x!tpu.dma_semaphore, #tpu.memory_space<semaphore_mem>> -> memref<!tpu.dma_semaphore, #tpu.memory_space<semaphore_mem>>
        %dma_wait3A_87 = arith.constant 0 : i32
        %dma_wait3A_88 = tpu.memref_slice %arg3[%arg1, %add3A_77, %dma_wait3A_87] : memref<16x1024x1024xf32, #tpu.memory_space<hbm>> -> memref<1x16x1024xf32, #tpu.memory_space<hbm>>
        %dma_wait3A_89 = tpu.memref_squeeze %dma_wait3A_88 : memref<1x16x1024xf32, #tpu.memory_space<hbm>> -> memref<16x1024xf32, #tpu.memory_space<hbm>>
        %dma_wait3A_90 = arith.constant 0 : i32
        %dma_wait3A_91 = arith.constant 0 : i32
        %dma_wait3A_92 = tpu.memref_slice %arg5[%and3A_48, %dma_wait3A_90, %dma_wait3A_91] : memref<2x16x1024xf32, #tpu.memory_space<vmem>> -> memref<1x16x1024xf32, #tpu.memory_space<vmem>>
        %dma_wait3A_93 = tpu.memref_squeeze %dma_wait3A_92 : memref<1x16x1024xf32, #tpu.memory_space<vmem>> -> memref<16x1024xf32, #tpu.memory_space<vmem>>
        tpu.wait_dma2 semaphore(%dma_wait3A_86 : memref<!tpu.dma_semaphore, #tpu.memory_space<semaphore_mem>>) src(%dma_wait3A_93 : memref<16x1024xf32, #tpu.memory_space<vmem>>) dst(%dma_wait3A_89 : memref<16x1024xf32, #tpu.memory_space<hbm>>)
      } else {
      }
      %scan3A_51 = arith.constant 0 : i32
      %scan3A_52 = arith.constant 16 : i32
      %scan3A_53 = arith.addi %scan3A_51, %scan3A_52 : i32
      %scan3A_54 = arith.constant 1 : i32
      scf.for %scan3A_74 = %scan3A_51 to %scan3A_53 step %scan3A_54  : i32 {
        %mul3A_75 = arith.constant 1 : i32
        %mul3A_76 = arith.muli %scan3A_74, %mul3A_75 : i32
        %add3A_77 = arith.constant 0 : i32
        %add3A_78 = arith.addi %add3A_77, %mul3A_76 : i32
        %mul3A_79 = arith.constant 16 : i32
        %mul3A_80 = arith.muli %add3A_47, %mul3A_79 : i32
        %add3A_81 = arith.addi %mul3A_0, %mul3A_80 : i32
        %add3A_82 = arith.addi %add3A_81, %add3A_78 : i32
        %shift_right_arithmetic3A = arith.constant 5 : i32
        %shift_right_arithmetic3A_83 = arith.shrsi %add3A_82, %shift_right_arithmetic3A : i32
        %mul3A_84 = arith.constant 63 : i32
        %mul3A_85 = arith.muli %shift_right_arithmetic3A_83, %mul3A_84 : i32
        %and3A_86 = arith.constant 31 : i32
        %and3A_87 = arith.andi %add3A_82, %and3A_86 : i32
        %add3A_88 = arith.addi %mul3A_85, %and3A_87 : i32
        %add3A_89 = arith.constant 1984 : i32
        %add3A_90 = arith.addi %add3A_88, %add3A_89 : i32
        %sub3A = vector.broadcast %add3A_90 : i32 to vector<16xi32>
        %sub3A_91 = arith.subi %sub3A, %iota3A : vector<16xi32>
        %parallel_loop3A = arith.constant 0 : i32
        %parallel_loop3A_92 = arith.constant 64 : i32
        %parallel_loop3A_93 = arith.constant 1 : i32
        scf.for %parallel_loop3A_94 = %parallel_loop3A to %parallel_loop3A_92 step %parallel_loop3A_93  : i32 {
          %parallel_loop3A_95 = arith.constant 1 : i32
          %parallel_loop3A_96 = arith.shrsi %parallel_loop3A_94, %parallel_loop3A_95 : i32
          %parallel_loop3A_97 = arith.constant 63 : i32
          %parallel_loop3A_98 = arith.muli %parallel_loop3A_96, %parallel_loop3A_97 : i32
          %parallel_loop3A_99 = arith.constant 1 : i32
          %parallel_loop3A_100 = arith.andi %parallel_loop3A_94, %parallel_loop3A_99 : i32
          %parallel_loop3A_101 = arith.constant 16 : i32
          %parallel_loop3A_102 = arith.muli %parallel_loop3A_100, %parallel_loop3A_101 : i32
          %parallel_loop3A_103 = arith.addi %parallel_loop3A_98, %parallel_loop3A_102 : i32
          %parallel_loop3A_104 = vector.broadcast %parallel_loop3A_103 : i32 to vector<16xi32>
          %parallel_loop3A_105 = arith.subi %sub3A_91, %parallel_loop3A_104 : vector<16xi32>
          %parallel_loop3A_106 = tpu.vector_load_idx %arg4[%parallel_loop3A_105] : memref<3976xf32, #tpu.memory_space<vmem>>[vector<16xi32>], vector<16xf32>,
          %parallel_loop3A_107 = arith.constant 16 : i32
          %parallel_loop3A_108 = arith.muli %parallel_loop3A_94, %parallel_loop3A_107 : i32
          %parallel_loop3A_109 = arith.constant 0 : i32
          %parallel_loop3A_110 = arith.constant 0 : i32
          %parallel_loop3A_111 = tpu.memref_slice %arg5[%and3A_48, %parallel_loop3A_109, %parallel_loop3A_110] : memref<2x16x1024xf32, #tpu.memory_space<vmem>> -> memref<1x16x1024xf32, #tpu.memory_space<vmem>>
          %parallel_loop3A_112 = tpu.memref_squeeze %parallel_loop3A_111 : memref<1x16x1024xf32, #tpu.memory_space<vmem>> -> memref<16x1024xf32, #tpu.memory_space<vmem>>
          %parallel_loop3A_113 = arith.index_cast %add3A_78 : i32 to index
          %parallel_loop3A_114 = arith.index_cast %parallel_loop3A_108 : i32 to index
          %parallel_loop3A_115 = tpu.vector_load %parallel_loop3A_112[%parallel_loop3A_113, %parallel_loop3A_114] {strides = array<i32>} : memref<16x1024xf32, #tpu.memory_space<vmem>>, vector<16xf32>,
          tpu.vector_store %parallel_loop3A_112[%parallel_loop3A_113, %parallel_loop3A_114], %parallel_loop3A_106 {strides = array<i32>} : memref<16x1024xf32, #tpu.memory_space<vmem>>, vector<16xf32>,
        } {sc.loop_unroll_factor = 8 : i64, sc.parallel_access}
      }
      %scan3A_55 = arith.constant 16 : i32
      %mul3A_56 = arith.constant 16 : i32
      %mul3A_57 = arith.muli %add3A_47, %mul3A_56 : i32
      %add3A_58 = arith.addi %mul3A_0, %mul3A_57 : i32
      %dma_start3A = arith.constant 0 : i32
      %dma_start3A_59 = arith.constant 0 : i32
      %dma_start3A_60 = tpu.memref_slice %arg5[%and3A_48, %dma_start3A, %dma_start3A_59] : memref<2x16x1024xf32, #tpu.memory_space<vmem>> -> memref<1x16x1024xf32, #tpu.memory_space<vmem>>
      %dma_start3A_61 = tpu.memref_squeeze %dma_start3A_60 : memref<1x16x1024xf32, #tpu.memory_space<vmem>> -> memref<16x1024xf32, #tpu.memory_space<vmem>>
      %dma_start3A_62 = arith.constant 0 : i32
      %dma_start3A_63 = tpu.memref_slice %arg3[%arg1, %add3A_58, %dma_start3A_62] : memref<16x1024x1024xf32, #tpu.memory_space<hbm>> -> memref<1x16x1024xf32, #tpu.memory_space<hbm>>
      %dma_start3A_64 = tpu.memref_squeeze %dma_start3A_63 : memref<1x16x1024xf32, #tpu.memory_space<hbm>> -> memref<16x1024xf32, #tpu.memory_space<hbm>>
      %dma_start3A_65 = tpu.memref_slice %arg6[%and3A_48] : memref<2x!tpu.dma_semaphore, #tpu.memory_space<semaphore_mem>> -> memref<1x!tpu.dma_semaphore, #tpu.memory_space<semaphore_mem>>
      %dma_start3A_66 = tpu.memref_squeeze %dma_start3A_65 : memref<1x!tpu.dma_semaphore, #tpu.memory_space<semaphore_mem>> -> memref<!tpu.dma_semaphore, #tpu.memory_space<semaphore_mem>>
      %dma_start3A_67 = arith.constant 0 : i32
      %dma_start3A_68 = tpu.memref_slice %arg3[%arg1, %add3A_58, %dma_start3A_67] : memref<16x1024x1024xf32, #tpu.memory_space<hbm>> -> memref<1x16x1024xf32, #tpu.memory_space<hbm>>
      %dma_start3A_69 = tpu.memref_squeeze %dma_start3A_68 : memref<1x16x1024xf32, #tpu.memory_space<hbm>> -> memref<16x1024xf32, #tpu.memory_space<hbm>>
      %dma_start3A_70 = arith.constant 0 : i32
      %dma_start3A_71 = arith.constant 0 : i32
      %dma_start3A_72 = tpu.memref_slice %arg5[%and3A_48, %dma_start3A_70, %dma_start3A_71] : memref<2x16x1024xf32, #tpu.memory_space<vmem>> -> memref<1x16x1024xf32, #tpu.memory_space<vmem>>
      %dma_start3A_73 = tpu.memref_squeeze %dma_start3A_72 : memref<1x16x1024xf32, #tpu.memory_space<vmem>> -> memref<16x1024xf32, #tpu.memory_space<vmem>>
      tpu.enqueue_dma source(%dma_start3A_73 : memref<16x1024xf32, #tpu.memory_space<vmem>>) target(%dma_start3A_69 : memref<16x1024xf32, #tpu.memory_space<hbm>>) target_semaphore(%dma_start3A_66 : memref<!tpu.dma_semaphore, #tpu.memory_space<semaphore_mem>>)
    }
    %scan3A_4 = arith.constant 32 : i32
    %add3A = arith.constant 480 : i32
    %add3A_5 = arith.addi %mul3A_0, %add3A : i32
    %dma_wait3A = arith.constant 0 : i32
    %dma_wait3A_6 = arith.constant 0 : i32
    %dma_wait3A_7 = arith.constant 0 : i32
    %dma_wait3A_8 = arith.constant 0 : i32
    %dma_wait3A_9 = tpu.memref_slice %arg5[%dma_wait3A, %dma_wait3A_7, %dma_wait3A_8] : memref<2x16x1024xf32, #tpu.memory_space<vmem>> -> memref<1x16x1024xf32, #tpu.memory_space<vmem>>
    %dma_wait3A_10 = tpu.memref_squeeze %dma_wait3A_9 : memref<1x16x1024xf32, #tpu.memory_space<vmem>> -> memref<16x1024xf32, #tpu.memory_space<vmem>>
    %dma_wait3A_11 = arith.constant 0 : i32
    %dma_wait3A_12 = tpu.memref_slice %arg3[%arg1, %add3A_5, %dma_wait3A_11] : memref<16x1024x1024xf32, #tpu.memory_space<hbm>> -> memref<1x16x1024xf32, #tpu.memory_space<hbm>>
    %dma_wait3A_13 = tpu.memref_squeeze %dma_wait3A_12 : memref<1x16x1024xf32, #tpu.memory_space<hbm>> -> memref<16x1024xf32, #tpu.memory_space<hbm>>
    %dma_wait3A_14 = tpu.memref_slice %arg6[%dma_wait3A_6] : memref<2x!tpu.dma_semaphore, #tpu.memory_space<semaphore_mem>> -> memref<1x!tpu.dma_semaphore, #tpu.memory_space<semaphore_mem>>
    %dma_wait3A_15 = tpu.memref_squeeze %dma_wait3A_14 : memref<1x!tpu.dma_semaphore, #tpu.memory_space<semaphore_mem>> -> memref<!tpu.dma_semaphore, #tpu.memory_space<semaphore_mem>>
    %dma_wait3A_16 = arith.constant 0 : i32
    %dma_wait3A_17 = tpu.memref_slice %arg3[%arg1, %add3A_5, %dma_wait3A_16] : memref<16x1024x1024xf32, #tpu.memory_space<hbm>> -> memref<1x16x1024xf32, #tpu.memory_space<hbm>>
    %dma_wait3A_18 = tpu.memref_squeeze %dma_wait3A_17 : memref<1x16x1024xf32, #tpu.memory_space<hbm>> -> memref<16x1024xf32, #tpu.memory_space<hbm>>
    %dma_wait3A_19 = arith.constant 0 : i32
    %dma_wait3A_20 = arith.constant 0 : i32
    %dma_wait3A_21 = tpu.memref_slice %arg5[%dma_wait3A, %dma_wait3A_19, %dma_wait3A_20] : memref<2x16x1024xf32, #tpu.memory_space<vmem>> -> memref<1x16x1024xf32, #tpu.memory_space<vmem>>
    %dma_wait3A_22 = tpu.memref_squeeze %dma_wait3A_21 : memref<1x16x1024xf32, #tpu.memory_space<vmem>> -> memref<16x1024xf32, #tpu.memory_space<vmem>>
    tpu.wait_dma2 semaphore(%dma_wait3A_15 : memref<!tpu.dma_semaphore, #tpu.memory_space<semaphore_mem>>) src(%dma_wait3A_22 : memref<16x1024xf32, #tpu.memory_space<vmem>>) dst(%dma_wait3A_18 : memref<16x1024xf32, #tpu.memory_space<hbm>>)
    %add3A_23 = arith.constant 496 : i32
    %add3A_24 = arith.addi %mul3A_0, %add3A_23 : i32
    %dma_wait3A_25 = arith.constant 1 : i32
    %dma_wait3A_26 = arith.constant 1 : i32
    %dma_wait3A_27 = arith.constant 0 : i32
    %dma_wait3A_28 = arith.constant 0 : i32
    %dma_wait3A_29 = tpu.memref_slice %arg5[%dma_wait3A_25, %dma_wait3A_27, %dma_wait3A_28] : memref<2x16x1024xf32, #tpu.memory_space<vmem>> -> memref<1x16x1024xf32, #tpu.memory_space<vmem>>
    %dma_wait3A_30 = tpu.memref_squeeze %dma_wait3A_29 : memref<1x16x1024xf32, #tpu.memory_space<vmem>> -> memref<16x1024xf32, #tpu.memory_space<vmem>>
    %dma_wait3A_31 = arith.constant 0 : i32
    %dma_wait3A_32 = tpu.memref_slice %arg3[%arg1, %add3A_24, %dma_wait3A_31] : memref<16x1024x1024xf32, #tpu.memory_space<hbm>> -> memref<1x16x1024xf32, #tpu.memory_space<hbm>>
    %dma_wait3A_33 = tpu.memref_squeeze %dma_wait3A_32 : memref<1x16x1024xf32, #tpu.memory_space<hbm>> -> memref<16x1024xf32, #tpu.memory_space<hbm>>
    %dma_wait3A_34 = tpu.memref_slice %arg6[%dma_wait3A_26] : memref<2x!tpu.dma_semaphore, #tpu.memory_space<semaphore_mem>> -> memref<1x!tpu.dma_semaphore, #tpu.memory_space<semaphore_mem>>
    %dma_wait3A_35 = tpu.memref_squeeze %dma_wait3A_34 : memref<1x!tpu.dma_semaphore, #tpu.memory_space<semaphore_mem>> -> memref<!tpu.dma_semaphore, #tpu.memory_space<semaphore_mem>>
    %dma_wait3A_36 = arith.constant 0 : i32
    %dma_wait3A_37 = tpu.memref_slice %arg3[%arg1, %add3A_24, %dma_wait3A_36] : memref<16x1024x1024xf32, #tpu.memory_space<hbm>> -> memref<1x16x1024xf32, #tpu.memory_space<hbm>>
    %dma_wait3A_38 = tpu.memref_squeeze %dma_wait3A_37 : memref<1x16x1024xf32, #tpu.memory_space<hbm>> -> memref<16x1024xf32, #tpu.memory_space<hbm>>
    %dma_wait3A_39 = arith.constant 0 : i32
    %dma_wait3A_40 = arith.constant 0 : i32
    %dma_wait3A_41 = tpu.memref_slice %arg5[%dma_wait3A_25, %dma_wait3A_39, %dma_wait3A_40] : memref<2x16x1024xf32, #tpu.memory_space<vmem>> -> memref<1x16x1024xf32, #tpu.memory_space<vmem>>
    %dma_wait3A_42 = tpu.memref_squeeze %dma_wait3A_41 : memref<1x16x1024xf32, #tpu.memory_space<vmem>> -> memref<16x1024xf32, #tpu.memory_space<vmem>>
    tpu.wait_dma2 semaphore(%dma_wait3A_35 : memref<!tpu.dma_semaphore, #tpu.memory_space<semaphore_mem>>) src(%dma_wait3A_42 : memref<16x1024xf32, #tpu.memory_space<vmem>>) dst(%dma_wait3A_38 : memref<16x1024xf32, #tpu.memory_space<hbm>>)
    return
  }
}

</mosaic_0001>

<sc_bundles>
// kernel: kernel.3.cloned.1.call-start
scs
__scs_entry_jumppad:
0x0: {  	(pc) =	sbr.rel $0x88, $3  }
0x1: {  	(tag) =	ssettag $0x0;
	lr =	simm.s32 $0x1  }
0x2: {  	[smem:$0x3FA0] =	sst lr;
	_ =	strace $0xD0000000  }
0x3: {  	_ = 	snop  }
0x4: {  	_ = 	snop  }
0x5: {  	_ = 	snop  }
0x6: {  	_ = 	snop  }
0x7: {  	_ = 	snop  }
__scs_overlays_trampoline_lowered:
0x8: {  	[smem:$0x3FAF] =	sst s0  }
0x9: {  	[smem:$0x3FB0] =	sst s1  }
0xa: {  	[smem:$0x3FB1] =	sst s2  }
0xb: {  	[smem:$0x3FB2] =	sst s3  }
0xc: {  	[smem:$0x3FB3] =	sst s4  }
0xd: {  	[smem:$0x3FB4] =	sst s5  }
0xe: {  	[smem:$0x3FB5] =	sst s6  }
0xf: {  	[smem:$0x3FB6] =	sst s7  }
0x10: {  	[smem:$0x3FB7] =	sst s8  }
0x11: {  	[smem:$0x3FB8] =	sst s9;
	s0 =	simm.s32 @!p0 $0x0  }
0x12: {  	s1 =	sld [smem:$0x3F9E];
	s0 =	simm.s32 @p0 $0x1  }
0x13: {  	[smem:$0x3FB9] =	sst s0;
	s0 =	simm.s32 @!p1 $0x0  }
0x14: {  	s2 =	sld [smem:$0x3F9D];
	s0 =	simm.s32 @p1 $0x1  }
0x15: {  	[smem:$0x3FBA] =	sst s0;
	s0 =	simm.s32 @!p2 $0x0  }
0x16: {  	s3 =	sld [smem:$0x3FDB];
	s0 =	simm.s32 @p2 $0x1  }
0x17: {  	s4 =	simm.s32 $0x1BF5;
	[smem:$0x3FBC] =	sst s0  }
0x18: {  	s0 =	sld [smem:$0x3F9F];
	_ =	swait.ge [sflag:s4], $0x0  }
0x19: {  	s7 =	sld [smem:$0x3FA0]  }
0x1a: {  	s8 =	sadd.s32 $0xFFFFE003, lr  }
0x1b: {  	s9 =	sadd.s32 $0xFFFFFEF7, lr;
	s5 =	simm.s32 $0xFFFFFFFF;
	p2 =	slt.u32 s8, $0xFFFFF086  }
0x1c: {  	p1 =	slt.u32 s9, $0xF7A;
	s5 =	simm.s32 @!p2 $0x0  }
0x1d: {  	s5 =	simm.s32 @p1 $0x1;
	p0 =	seq.s32 s7, s2  }
0x1e: {  	s7 =	smul.u32 @!p0 $0xF7A, s2;
	p2 =	seq.s32 @!p0 s5, $0x0  }
0x1f: {  	s9 =	smul.u32 $0xF7A, s1;
	s8 =	simm.s32 @!p0 $0x1BF5;
	p2 =	por !p2, p0  }
0x20: {  	[sflag:s8] =	ssyncset.s32 @!p0 $0xFFFFF086;
	s6 =	sadd.s32 @!p0 s3, s7;
	s7 =	simm.s32 @!p0 $0x108  }
0x21: {  	s3 =	sadd.s32 s3, s9;
	s6 =	sadd.s32 @!p0 $0x88, s6;
	s7 =	simm.s32 @p2 $0x1082  }
0x22: {  	[simem:s7], [sflag:s8] =	dma.local @!p0 [hbm:s6], $0xF7A  }
0x23: {  	s9 =	sor.u32 $0xD0000000, s2;
	s6 =	simm.s32 $0x108;
	_ =	swait.ge @!p0 [sflag:s8], $0x0  }
0x24: {  	s3 =	sadd.s32 $0x88, s3;
	s6 =	simm.s32 @!p1 $0x1082;
	[sflag:s4] =	ssyncset.s32 $0xFFFFF086  }
0x25: {  	[simem:s6], [sflag:s4] =	dma.local [hbm:s3], $0xF7A  }
0x26: {  	[smem:$0x3FA0] =	sst s1;
	(tag) =	ssettag s2;
	_ =	strace s9  }
0x27: {  	s1 =	sld [smem:$0x3FB0]  }
0x28: {  	s2 =	sld [smem:$0x3FB1]  }
0x29: {  	s4 =	sld [smem:$0x3FB3]  }
0x2a: {  	p0 =	seq.s32 s5, $0x0;
	s5 =	sld [smem:$0x3FB4]  }
0x2b: {  	s6 =	sld [smem:$0x3FB5]  }
0x2c: {  	s7 =	sld [smem:$0x3FB6]  }
0x2d: {  	s3 =	simm.s32 $0x108;
	s8 =	sld [smem:$0x3FB7]  }
0x2e: {  	s3 =	simm.s32 @!p0 $0x1082;
	s9 =	sld [smem:$0x3FB8]  }
0x2f: {  	lr =	sadd.s32 s0, s3;
	s0 =	sld [smem:$0x3FAF]  }
0x30: {  	s3 =	sld [smem:$0x3FB2]  }
0x31: {  	[smem:$0x3FBB] =	sst s10  }
0x32: {  	s10 =	sld [smem:$0x3FB9];
	_ =	sdelay $0x3  }
0x33: {  	p0 =	seq.s32 s10, $0x1;
	s10 =	sld [smem:$0x3FBB];
	_ =	sdelay $0x3  }
0x34: {  	[smem:$0x3FBB] =	sst s10  }
0x35: {  	s10 =	sld [smem:$0x3FBA];
	_ =	sdelay $0x3  }
0x36: {  	p1 =	seq.s32 s10, $0x1;
	s10 =	sld [smem:$0x3FBB];
	_ =	sdelay $0x3  }
0x37: {  	[smem:$0x3FBB] =	sst s10  }
0x38: {  	s10 =	sld [smem:$0x3FBC]  }
0x39: {  	_ = 	snop;
	(pc) =	sbr.ind lr, $3  }
0x3a: {  	_ = 	snop  }
0x3b: {  	_ = 	snop  }
0x3c: {  	p2 =	seq.s32 s10, $0x1;
	s10 =	sld [smem:$0x3FBB]  }
0x3d: {  	_ =	shalt  }
0x3e: {  	_ =	shalt  }
0x3f: {  	_ =	shalt  }
0x40: {  	_ =	shalt  }
0x41: {  	_ =	shalt  }
0x42: {  	_ =	shalt  }
0x43: {  	_ =	shalt  }
0x44: {  	_ =	shalt  }
0x45: {  	_ =	shalt  }
0x46: {  	_ =	shalt  }
0x47: {  	_ =	shalt  }
0x48: {  	_ =	shalt  }
0x49: {  	_ =	shalt  }
0x4a: {  	_ =	shalt  }
0x4b: {  	_ =	shalt  }
0x4c: {  	_ =	shalt  }
0x4d: {  	_ =	shalt  }
0x4e: {  	_ =	shalt  }
0x4f: {  	_ =	shalt  }
0x50: {  	_ =	shalt  }
0x51: {  	_ =	shalt  }
0x52: {  	_ =	shalt  }
0x53: {  	_ =	shalt  }
0x54: {  	_ =	shalt  }
0x55: {  	_ =	shalt  }
0x56: {  	_ =	shalt  }
0x57: {  	_ =	shalt  }
0x58: {  	_ =	shalt  }
0x59: {  	_ =	shalt  }
0x5a: {  	_ =	shalt  }
0x5b: {  	_ =	shalt  }
0x5c: {  	_ =	shalt  }
0x5d: {  	_ =	shalt  }
0x5e: {  	_ =	shalt  }
0x5f: {  	_ =	shalt  }
0x60: {  	_ =	shalt  }
0x61: {  	_ =	shalt  }
0x62: {  	_ =	shalt  }
0x63: {  	_ =	shalt  }
0x64: {  	_ =	shalt  }
0x65: {  	_ =	shalt  }
0x66: {  	_ =	shalt  }
0x67: {  	_ =	shalt  }
0x68: {  	_ =	shalt  }
0x69: {  	_ =	shalt  }
0x6a: {  	_ =	shalt  }
0x6b: {  	_ =	shalt  }
0x6c: {  	_ =	shalt  }
0x6d: {  	_ =	shalt  }
0x6e: {  	_ =	shalt  }
0x6f: {  	_ =	shalt  }
0x70: {  	_ =	shalt  }
0x71: {  	_ =	shalt  }
0x72: {  	_ =	shalt  }
0x73: {  	_ =	shalt  }
0x74: {  	_ =	shalt  }
0x75: {  	_ =	shalt  }
0x76: {  	_ =	shalt  }
0x77: {  	_ =	shalt  }
0x78: {  	_ =	shalt  }
0x79: {  	_ =	shalt  }
0x7a: {  	_ =	shalt  }
0x7b: {  	_ =	shalt  }
0x7c: {  	_ =	shalt  }
0x7d: {  	_ =	shalt  }
0x7e: {  	_ =	shalt  }
0x7f: {  	_ =	shalt  }
0x80: {  	_ =	shalt  }
0x81: {  	_ =	shalt  }
0x82: {  	_ =	shalt  }
0x83: {  	_ =	shalt  }
0x84: {  	_ =	shalt  }
0x85: {  	_ =	shalt  }
0x86: {  	_ =	shalt  }
0x87: {  	_ =	shalt  }
.Lfunc_end0:
.L_simem_size_0:
called_computation_lowered:
.L_overlay_start_0:
0x88: {  	s2 =	sld [smem:$0x3FD9]  }
0x89: {  	s3 =	sld [smem:$0x3FFE];
	_ =	sdelay $0x1  }
0x8a: {  	s1 =	srdreg.scid  }
0x8b: {  	s0 =	sand.u32 $0x1, s1  }
0x8c: {  	s17 =	sshll.u32 s0, $0xA;
	s2 =	sadd.s32 s3, s2  }
0x8d: {  	s2 =	sadd.s32 s2, s17  }
0x8e: {  	[smem:$0x3FC7] =	sst s2  }
0x8f: {  	_ = 	snop  }
0x90: {  	s2 =	sld [smem:$0x3FD0];
	(tm) =	ssettm $0x1  }
0x91: {  	s18 =	sld [smem:$0x3FFB];
	_ =	sdelay $0x3  }
0x92: {  	_ =	strace s18  }
0x93: {  	s3 =	sld [smem:$0x3FFC];
	_ =	sdelay $0x3  }
0x94: {  	_ =	strace s3  }
0x95: {  	s3 =	sld [smem:$0x3FFD];
	_ =	sdelay $0x3  }
0x96: {  	_ =	strace s3  }
0x97: {  	_ =	strace $0x8FFFFFFF  }
0x98: {  	s19 =	sld [smem:$0x3FDB];
	_ =	sdelay $0x1  }
0x99: {  	s4 =	simm.s32 $_scs_section_size  }
0x9a: {  	s5 =	simm.s32 $_size__tile_overlayer_lowered;
	s6 =	simm.s32 $_tile_overlayer_lowered  }
0x9b: {  	s22 =	simm.s32 $0x1BFF;
	s21 =	sshll.u32 s6, $0x1;
	s3 =	sadd.s32 s4, s19  }
0x9c: {  	s7 =	simm.s32 $0x0;
	s20 =	sshll.u32 s5, $0x1;
	s5 =	sadd.s32 s21, s3  }
0x9d: {  	[timem:s7], [sflag:s22] =	dma.local [hbm:s5], s20  }
0x9e: {  	_ =	swait.ge [sflag:s22], s20  }
0x9f: {  	s4 =	ssub.s32 $0x0, s20;
	[sflag:s22] =	ssyncset.done $0x0  }
0xa0: {  	[sflag:s22] =	ssyncadd.s32 s4;
	_ =	sdelay $0x1  }
0xa1: {  	s23 =	simm.s32 $0x1B8B  }
0xa2: {  	_ =	swait.ge [sflag:s23], $0x1  }
0xa3: {  	[sflag:s23] =	ssyncset.done $0x0  }
0xa4: {  	s25 =	simm.s32 $0x1B8E;
	s24 =	sld [smem:$0x3FFE];
	[sflag:s23] =	ssyncadd.s32 $0xFFFFFFFF  }
0xa5: {  	s26 =	simm.s32 $execute0_lowered;
	[smem:$0x3FD2] =	sst s25  }
0xa6: {  	s5 =	sshll.u32 s26, $0x1;
	_ =	strace $0x80000046;
	[dreg:$0x1] =	wrdreg $0xFFFFFFFF  }
0xa7: {  	s28 =	simm.s32 $_size_execute0_lowered;
	s3 =	sadd.s32 s3, s5;
	[dreg:$0x0] =	wrdreg $0x0  }
0xa8: {  	s5 =	sshll.u32 s28, $0x1;
	[dreg:$0x2] =	wrdreg s3  }
0xa9: {  	[dreg:$0x3] =	wrdreg s5  }
0xaa: {  	[dreg:$0x4] =	wrdreg $0xC0  }
0xab: {  	_ =	task [dreg:s7], $0x5FFFF  }
0xac: {  	[dreg:$0x1] =	wrdreg $0xFFFFFFFF  }
0xad: {  	[dreg:$0x0] =	wrdreg $0x60  }
0xae: {  	[dreg:$0x2] =	wrdreg s24  }
0xaf: {  	[dreg:$0x3] =	wrdreg s2  }
0xb0: {  	[dreg:$0x4] =	wrdreg $0x9  }
0xb1: {  	_ =	task.clear_ibuf [dreg:s7], $0x5FFFF;
	_ =	strace $0x90000046  }
0xb2: {  	s29 =	simm.s32 $0x9;
	_ =	strace $0x80000048  }
0xb3: {  	_ =	swait.ge [sflag:s29], $0x1  }
0xb4: {  	[sflag:s29] =	ssyncadd.s32 $0xFFFFFFFF  }
0xb5: {  	_ =	strace $0x90000048  }
0xb6: {  	_ =	sfence  }
0xb7: {  	s30 =	sld [smem:$0x0];
	_ =	sdelay $0x2  }
0xb8: {  	s31 =	sshll.u32 s1, $0xD;
	s1 =	sshrl.u32 s1, $0x2  }
0xb9: {  	s3 =	sand.u32 $0x4000, s31;
	s1 =	sadd.s32 s1, s30  }
0xba: {  	s0 =	sor.u32 s3, s0;
	s1 =	sshll.u32 s1, $0x11  }
0xbb: {  	s0 =	sor.u32 s1, s0  }
0xbc: {  	s0 =	sadd.s32 $0x8F2B, s0  }
0xbd: {  	[sflag:s0] =	ssyncadd.remote.s32 $0x1  }
0xbe: {  	_ =	sfence.sel $0xFFFF  }
0xbf: {  	[dreg:$0x0] =	wrdreg $0xFFFFFFFF;
	(pc) =	sbr.abs _section_cstart, $3  }
0xc0: {  	[dreg:$0x1] =	wrdreg $0xFFFFFFFF  }
0xc1: {  	_ =	task.clear_ibuf [dreg:s7], $0x2FFFF;
	_ =	strace $0x9FFFFFFF  }
0xc2: {  	(tm) =	ssettm $0x7FFFFFFF  }
0xc3: {  	_ =	shalt  }
tec
execute0_lowered:
.L_overlay_start_1:
0x0: {  	(tag) =	ssettag $0x1  }
0x1: {  	s3 =	rddreg [dreg:$0x0]  }
0x2: {  	s4 =	rddreg [dreg:$0x1]  }
0x3: {  	s0 =	rddreg [dreg:$0x2];
	s5 =	srdreg.scid  }
0x4: {  	s2 =	simm.s32 $0x0;
	s1 =	stileid.u32;
	s9 =	simm.s32 $0x3  }
0x5: {  	s10 =	simm.s32 $0x1;
	s11 =	simm.s32 $0x2;
	s12 =	simm.s32 $0x0  }
0x6: {  	s5 =	sand.u32 $0x1, s5;
	[smem:$0x7FF] =	sst s2;
	s6 =	sshll.u32 s1, $0x4  }
0x7: {  	s30 =	sshll.u32 s1, $0x9;
	s31 =	sshll.u32 s1, $0x11;
	s7 =	ssub.s32 $0x2, s5  }
0x8: {  	_ =	strace $0x80000047;
	s6 =	sand.u32 $0x70, s6;
	s8 =	sshrl.u32 s7, $0x1  }
0x9: {  	v0 =	vlaneseq.u32;
	s6 =	sadd.s32 s6, s3;
	s3 =	sshll.u32 s5, $0x9;
	s5 =	sshll.u32 s5, $0x10  }
0xa: {  	v0 =	vmul.u32 $0xFFFFFFFF, v0;
	s7 =	ssub.s32 s7, s8;
	s8 =	sand.u32 $0x1000, s30;
	s5 =	sadd.s32 s4, s5  }
0xb: {  	s6 =	sadd.s32 s8, s6;
	s5 =	sadd.s32 s31, s5;
	s8 =	simm.s32 $0x400  }
0xc: {  	v1 =	vadd.s32 $0xFFFFFF04, v0;
	s4 =	sadd.s32 $0x400, s6;
	s6 =	smax.u32 s7, $0x1;
	s7 =	simm.s32 $0x80  }
.LBB2_1:
0xd: {  	[tilespmem:s2], [sflag:$0x3] =	stream.strided.gather [hbm4b:s4+s7], $0x1000, s8, s7, $0x38;
	[tilespmem:$0x9000] =	vst v63  }
0xe: {  	_ =	swait.ge [sflag:s9], $0x1000  }
0xf: {  	[sflag:s9] =	ssyncset.done $0x0  }
0x10: {  	p0 =	por $0x0, $0x0;
	s13 =	simm.s32 $0x0;
	[sflag:s9] =	ssyncadd.s32 $0xFFFFF000  }
.LBB2_2:
0x11: {  	s15 =	sshll.u32 s13, $0x4;
	s14 =	sand.u32 $0x1, s13;
	p1 =	slt.u32 s13, $0x2  }
0x12: {  	s18 =	simm.s32 $0x1;
	s19 =	simm.s32 $0x0;
	s20 =	simm.s32 $0x0  }
0x13: {  	s21 =	simm.s32 $0x0;
	s16 =	sadd.s32 s3, s15;
	s17 =	sadd.s32 @!p1 $0x1, s14  }
0x14: {  	s18 =	simm.s32 @!p0 $0x0;
	s15 =	sand.u32 $0x10, s15;
	s16 =	sshrl.u32 s16, $0x5  }
0x15: {  	_ =	swait.ge @!p1 [sflag:s17], $0x4000;
	s18 =	sshll.u32 s18, $0x10;
	s16 =	smul.u32 $0x3F, s16  }
0x16: {  	s30 =	sshll.u32 s14, $0xE;
	[sflag:s17] =	ssyncset.done @!p1 $0x0;
	s31 =	sshrl.u32 s18, $0x2  }
0x17: {  	s18 =	simm.s32 $0x0;
	[sflag:s17] =	ssyncadd.s32 @!p1 $0xFFFFC000;
	s15 =	sadd.s32 s15, s16  }
0x18: {  	s17 =	sadd.s32 $0x1040, s31;
	s16 =	sadd.s32 $0x7C0, s15;
	s15 =	sor.u32 $0x1000, s30  }
.LBB2_3:
0x19: {  	s22 =	sadd.s32 s21, s16  }
0x1a: {  	v3 =	vadd.s32 s22, v0;
	v5 =	vadd.s32 s22, v1  }
0x1b: {  	s26 =	simm.s32 $0xFFFFFF33;
	v4 =	vadd.s32 s18, v5  }
0x1c: {  	s23 =	simm.s32 $0xFFFFFFF0;
	v6 =	vadd.s32 s26, v3  }
0x1d: {  	s28 =	simm.s32 $0xFFFFFFC1;
	v7 =	vadd.s32 s23, v3  }
0x1e: {  	s29 =	simm.s32 $0xFFFFFFB1;
	v8 =	vadd.s32 s28, v3  }
0x1f: {  	s30 =	simm.s32 $0xFFFFFF82;
	v9 =	vadd.s32 s29, v3;
	v2 =	vld.idx.msk [tilespmem:v3+s2+$0x0], $0xffff  }
0x20: {  	s25 =	simm.s32 $0xFFFFFF72;
	v12 =	vadd.s32 s30, v3;
	v4 =	vld.idx.msk [tilespmem:v4+s2+$0x0], $0xffff  }
0x21: {  	s31 =	sshll.u32 s20, $0x2;
	s24 =	sand.u32 $0x7, s19;
	v13 =	vadd.s32 s25, v3;
	s29 =	simm.s32 $0xFFFFFF43;
	v18 =	vld.idx.msk [tilespmem:v6+s2+$0x0], $0xffff  }
0x22: {  	s26 =	sand.u32 $0xFFFF8000, s31;
	s28 =	sshll.u32 s24, $0x9;
	s23 =	simm.s32 $0xFFFFFF04;
	v19 =	vadd.s32 s29, v3;
	v20 =	vld.idx.msk [tilespmem:v7+s2+$0x0], $0xffff  }
0x23: {  	s31 =	simm.s32 $0xFFFFFE37;
	s22 =	sor.u32 s28, s26;
	v10 =	vadd.s32 s23, v5;
	v6 =	vld.idx.msk [tilespmem:v8+s2+$0x0], $0xffff  }
0x24: {  	s30 =	simm.s32 $0xFFFFFEF4;
	s26 =	simm.s32 $0xFFFFFEC5;
	v16 =	vadd.s32 s31, v3;
	s22 =	sshrl.u32 s22, $0x2;
	v9 =	vld.idx.msk [tilespmem:v9+s2+$0x0], $0xffff  }
0x25: {  	v11 =	vadd.s32 s30, v3;
	s28 =	simm.s32 $0xFFFFFEB5;
	s29 =	simm.s32 $0xFFFFFE86;
	v15 =	vadd.s32 s26, v3;
	s22 =	sadd.s32 s22, s17;
	v14 =	vld.idx.msk [tilespmem:v12+s2+$0x0], $0xffff  }
0x26: {  	s30 =	simm.s32 $0xFFFFFE76;
	s31 =	simm.s32 $0xFFFFFE47;
	v12 =	vadd.s32 s28, v3;
	v17 =	vld.idx.msk [tilespmem:v13+s2+$0x0], $0xffff;
	v13 =	vadd.s32 s29, v3;
	[tilespmem:s22+$0x30] =	vst v18  }
0x27: {  	s24 =	simm.s32 $0x8;
	v8 =	vadd.s32 s30, v3;
	v7 =	vadd.s32 s31, v3;
	v18 =	vld.idx.msk [tilespmem:v19+s2+$0x0], $0xffff;
	[tilespmem:s22+$0xFFFFFFD0] =	vst v20  }
.LBB2_4:
0x28: {  	v19 =	vld.idx.msk [tilespmem:v10+s2+$0x0], $0xffff;
	[tilespmem:s22+$0xFFFFFFE0] =	vst v6  }
0x29: {  	v20 =	vld.idx.msk [tilespmem:v16+s2+$0x0], $0xffff;
	[tilespmem:s22+$0xFFFFFFF0] =	vst v9  }
0x2a: {  	s24 =	sadd.s32 $0x8, s24;
	v21 =	vld.idx.msk [tilespmem:v11+s2+$0x0], $0xffff;
	[tilespmem:s22+$0x0] =	vst v14  }
0x2b: {  	s23 =	sadd.s32 $0xFFFFFF04, s23;
	p1 =	slt.u32 s24, $0x38;
	v6 =	vld.idx.msk [tilespmem:v15+s2+$0x0], $0xffff;
	[tilespmem:s22+$0x10] =	vst v17  }
.Ltmp0:
0x2c: {  	v10 =	vadd.s32 s23, v5;
	s25 =	sadd.s32 $0xFFFFFFF0, s23;
	s26 =	sadd.s32 $0xFFFFFF33, s23;
	v9 =	vld.idx.msk [tilespmem:v12+s2+$0x0], $0xffff;
	[tilespmem:s22+$0x20] =	vst v18;
	(pc) =	sbr.rel @p1 .LBB2_4-.Ltmp0, $4  }
0x2d: {  	s28 =	sadd.s32 $0xFFFFFFB1, s23;
	v11 =	vadd.s32 s25, v3;
	s25 =	sadd.s32 $0xFFFFFFC1, s23;
	v16 =	vadd.s32 s26, v3;
	v14 =	vld.idx.msk [tilespmem:v13+s2+$0x0], $0xffff;
	[tilespmem:s22+$0xFFFFFFC0] =	vst v2;
	v2 =	vmov v4  }
0x2e: {  	s26 =	sadd.s32 $0xFFFFFF72, s23;
	v15 =	vadd.s32 s25, v3;
	s25 =	sadd.s32 $0xFFFFFF82, s23;
	v12 =	vadd.s32 s28, v3;
	s22 =	sadd.s32 $0x400, s22;
	v4 =	vmov v19;
	v17 =	vld.idx.msk [tilespmem:v8+s2+$0x0], $0xffff  }
0x2f: {  	v13 =	vadd.s32 s25, v3;
	s25 =	sadd.s32 $0xFFFFFF43, s23;
	v8 =	vadd.s32 s26, v3;
	v18 =	vld.idx.msk [tilespmem:v7+s2+$0x0], $0xffff;
	[tilespmem:s22+$0x30] =	vst v20  }
0x30: {  	v7 =	vadd.s32 s25, v3;
	[tilespmem:s22+$0xFFFFFFD0] =	vst v21  }
0x31: {  	_ =	sdelay $0x1  }
0x32: {  	[tilespmem:s22+$0xFFFFFFE0] =	vst v6  }
0x33: {  	[tilespmem:s22+$0xFFFFFFF0] =	vst v9  }
0x34: {  	v3 =	vld.idx.msk [tilespmem:v16+s2+$0x0], $0xffff;
	[tilespmem:s22+$0xFFFFFFC0] =	vst v2  }
0x35: {  	v5 =	vld.idx.msk [tilespmem:v11+s2+$0x0], $0xffff;
	s31 =	sadd.s32 $0x400, s22;
	[tilespmem:s22+$0x0] =	vst v14  }
0x36: {  	v62 =	vld.idx.msk [tilespmem:v15+s2+$0x0], $0xffff;
	[tilespmem:s31+$0xFFFFFFC0] =	vst v4  }
0x37: {  	v63 =	vld.idx.msk [tilespmem:v12+s2+$0x0], $0xffff;
	[tilespmem:s22+$0x10] =	vst v17  }
0x38: {  	v10 =	vld.idx.msk [tilespmem:v13+s2+$0x0], $0xffff;
	[tilespmem:s22+$0x20] =	vst v18  }
0x39: {  	v2 =	vld.idx.msk [tilespmem:v8+s2+$0x0], $0xffff;
	s21 =	sadd.s32 $0x1, s21;
	[tilespmem:s31+$0x30] =	vst v3  }
0x3a: {  	p1 =	sne.s32 s21, $0x10;
	v3 =	vld.idx.msk [tilespmem:v7+s2+$0x0], $0xffff;
	[tilespmem:s31+$0xFFFFFFD0] =	vst v5  }
.Ltmp1:
0x3b: {  	[tilespmem:s31+$0xFFFFFFE0] =	vst v62;
	(pc) =	sbr.rel @p1 .LBB2_3-.Ltmp1, $4  }
0x3c: {  	[tilespmem:s31+$0xFFFFFFF0] =	vst v63  }
0x3d: {  	[tilespmem:s31+$0x0] =	vst v10  }
0x3e: {  	[tilespmem:s31+$0x10] =	vst v2  }
0x3f: {  	s20 =	sadd.s32 $0x400, s20;
	s19 =	sadd.s32 $0x1, s19;
	[tilespmem:s31+$0x20] =	vst v3  }
0x40: {  	s16 =	sshll.u32 s13, $0xB;
	s13 =	sadd.s32 $0x1, s13  }
0x41: {  	p1 =	sne.s32 s13, $0x20  }
.Ltmp2:
0x42: {  	_ = 	snop;
	(pc) =	sbr.rel @p1 .LBB2_2-.Ltmp2, $3  }
0x43: {  	_ =	sdelay $0x1  }
0x44: {  	s14 =	sadd.s32 $0x1, s14;
	p0 =	por !p0, !p0;
	s16 =	sadd.s32 s16, s5  }
0x45: {  	[hbm4b:s16+s2] =	stream.linear.scatter [tilespmem:s15], [sflag:s14], $0x4000, $0x38;
	[tilespmem:$0x9000] =	vst v63  }
0x46: {  	s12 =	sadd.s32 $0x1, s12  }
0x47: {  	_ =	swait.ge [sflag:s10], $0x4000;
	p0 =	sne.s32 s12, s6  }
.Ltmp3:
0x48: {  	[sflag:s10] =	ssyncset.done $0x0;
	(pc) =	sbr.rel @p0 .LBB2_1-.Ltmp3, $4  }
0x49: {  	[sflag:s10] =	ssyncadd.s32 $0xFFFFC000  }
0x4a: {  	_ =	swait.ge [sflag:s11], $0x4000  }
0x4b: {  	[sflag:s11] =	ssyncset.done $0x0  }
0x4c: {  	[sflag:s11] =	ssyncadd.s32 $0xFFFFC000  }
0x4d: {  	_ =	sfence.sel $0x180000  }
0x4e: {  	[bflag:$0x0] =	sbarrier.arrive $0xFFFF  }
0x4f: {  	p0 =	sne.s32 s1, $0x0;
	_ =	strace $0x90000047  }
0x50: {  	s0 =	sadd.s32 @!p0 $0x100000, s0;
	[bflag:$0x2] =	sbarrier.arrive $0xFFFF  }
0x51: {  	[sflag:s0] =	ssyncadd.tile.s32 @!p0 $0x1;
	_ =	shalt  }
.Lfunc_end2:
_tile_overlayer_lowered:
.L_overlay_start_2:
0x52: {  	(tag) =	ssettag $0x2  }
0x53: {  	s0 =	rddreg [dreg:$0x0];
	s2 =	stileid.u32  }
0x54: {  	s1 =	rddreg [dreg:$0x1];
	p0 =	sne.s32 s2, $0x0  }
0x55: {  	s3 =	rddreg [dreg:$0x2];
	[bflag:$0x3] =	sbarrier.arrive $0xFFFF;
	s2 =	simm.s32 @!p0 $0x1C03  }
0x56: {  	[timem:s3], [sflag:s2] =	dma.local @!p0 [hbm:s0], s1  }
0x57: {  	s0 =	simm.s32 @!p0 $0x3  }
0x58: {  	_ =	swait.ge @!p0 [sflag:s0], s1  }
0x59: {  	s1 =	ssub.s32 @!p0 $0x0, s1;
	[sflag:s0] =	ssyncset.done @!p0 $0x0  }
0x5a: {  	[sflag:s0] =	ssyncadd.s32 @!p0 s1  }
0x5b: {  	[bflag:$0x3] =	sbarrier.arrive $0xFFFF  }
0x5c: {  	_ =	shalt  }

</sc_bundles>
